<compile_context>
chip_gen: v7x
topology: tpu7x:2x2x1
jax: 0.10.2.dev20260603
libtpu: 0.0.44.dev20260713+nightly
codegen_flags: <defaults>
</compile_context>

<pallas_src>
import functools

import jax
import jax.numpy as jnp
from jax import lax
from jax.experimental import pallas as pl
from jax.experimental.pallas import tpu as pltpu
from jax.experimental.pallas import tpu_sc as plsc

_EPS = 1e-12
_SHIFT = 32.0


def _make_sc_gather(n, e):
    info = plsc.get_sparse_core_info()
    nw = info.num_cores * info.num_subcores
    blocks = e // 128
    active = nw
    while blocks % active:
        active -= 1
    e_per_w = e // active
    mesh = plsc.VectorSubcoreMesh(core_axis_name="c", subcore_axis_name="s")

    @functools.partial(
        pl.kernel,
        mesh=mesh,
        compiler_params=pltpu.CompilerParams(needs_layout_passes=False),
        out_type=jax.ShapeDtypeStruct((1, e), jnp.int32),
        scratch_types=[
            pltpu.VMEM((n,), jnp.int32),
            pltpu.VMEM((2, e_per_w), jnp.int32),
            pltpu.VMEM((e_per_w,), jnp.int32),
        ],
    )
    def gather_k(y_hbm, ei_hbm, out_hbm, y_v, idx_v, res_v):
        wid = lax.axis_index("s") * info.num_cores + lax.axis_index("c")

        @pl.when(wid < active)
        def _():
            base = wid * e_per_w
            pltpu.sync_copy(y_hbm, y_v)
            pltpu.sync_copy(ei_hbm.at[:, pl.ds(base, e_per_w)], idx_v)

            @plsc.parallel_loop(0, e_per_w, 16, unroll=8)
            def body(i):
                idx = idx_v[0, pl.ds(i, 16)]
                res_v[pl.ds(i, 16)] = plsc.load_gather(y_v, [idx])
            pltpu.sync_copy(res_v, out_hbm.at[0, pl.ds(base, e_per_w)])

    return gather_k


def _softmax_rows(z):
    m = jnp.max(z, axis=1, keepdims=True)
    ez = jnp.exp(z - m)
    return ez / jnp.sum(ez, axis=1, keepdims=True)


def _tables(pt):
    p_tab = _softmax_rows(pt)
    log_p_tab = jnp.log(p_tab + _EPS)
    return p_tab, p_tab * log_p_tab


def _stats(zt, y_row, p_tab, t2_tab, y_dim, width, low_precision=False):
    c = zt.shape[0]
    e = jnp.exp(zt)
    ez = e * zt
    if low_precision:
        mm_dtype = jnp.bfloat16
        e = e.astype(mm_dtype)
        ez = ez.astype(mm_dtype)
        p_tab_mm = p_tab.astype(mm_dtype)
        t2_tab_mm = t2_tab.astype(mm_dtype)
    else:
        mm_dtype = jnp.float32
        p_tab_mm, t2_tab_mm = p_tab, t2_tab
    oh = y_row == lax.broadcasted_iota(jnp.int32, (y_dim, width), 0)
    dn = (((0,), (0,)), ((), ()))
    ones = jnp.ones((1, c), mm_dtype)
    s1 = lax.dot_general(ones, e, (((1,), (0,)), ((), ())),
                         preferred_element_type=jnp.float32)
    a1 = lax.dot_general(p_tab_mm, e, dn, preferred_element_type=jnp.float32)
    b = (lax.dot_general(p_tab_mm, ez, dn, preferred_element_type=jnp.float32)
         + lax.dot_general(t2_tab_mm, e, dn,
                           preferred_element_type=jnp.float32))
    zero = jnp.zeros((), jnp.float32)
    q = jnp.sum(jnp.where(oh, a1, zero), axis=0, keepdims=True)
    s23 = jnp.sum(jnp.where(oh, b, zero), axis=0, keepdims=True)
    sum_log_s1 = jnp.sum(jnp.log(s1))
    tll = jnp.sum(jnp.log(q)) - sum_log_s1
    cll = jnp.sum(s23 / q) - sum_log_s1
    return a1, s1, tll, cll


def _node_body(nt, y_dim, x_ref, y_ref, wt_ref, lp_ref, pt_ref,
               labels_ref, cll_ref, tll_ref):
    zt = lax.dot_general(wt_ref[...], x_ref[...], (((1,), (1,)), ((), ())),
                         preferred_element_type=jnp.float32) + (lp_ref[...]
                                                                - _SHIFT)
    p_tab, t2_tab = _tables(pt_ref[...])
    a1, s1, tll, cll = _stats(zt, y_ref[...], p_tab, t2_tab, y_dim, nt)
    labels_ref[...] = a1 / s1

    @pl.when(pl.program_id(0) == 0)
    def _():
        cll_ref[0, 0] = 0.0
        tll_ref[0, 0] = 0.0

    cll_ref[0, 0] += cll
    tll_ref[0, 0] += tll


def _edge_body(et, y_dim, at_ref, y_ref, wt_ref, lp_ref, pt_ref,
               ncll_ref, ntll_ref, cll_ref, tll_ref):
    zt = lax.dot_general(wt_ref[...], at_ref[...], (((1,), (0,)), ((), ())),
                         preferred_element_type=jnp.float32) + (lp_ref[...]
                                                                - _SHIFT)
    p_tab, t2_tab = _tables(pt_ref[...])
    _, _, tll, cll = _stats(zt, y_ref[...], p_tab, t2_tab, y_dim, et, low_precision=True)

    @pl.when(pl.program_id(0) == 0)
    def _():
        cll_ref[0, 0] = ncll_ref[0, 0]
        tll_ref[0, 0] = ntll_ref[0, 0]

    cll_ref[0, 0] += cll
    tll_ref[0, 0] += tll


def _scalar_spec():
    return pl.BlockSpec((1, 1), lambda i: (0, 0), memory_space=pltpu.SMEM)


def _full_spec():
    return pl.BlockSpec(index_map=lambda i: (0, 0))


def kernel(x, edge_index, edge_attr, batch, y, W_node_em, log_prior_node,
           W_edge_em, log_prior_edge, P_node_logits, P_edge_logits):
    n, k = x.shape
    e, d_e = edge_attr.shape
    c = W_node_em.shape[1]
    ca = W_edge_em.shape[1]
    y_dim = P_node_logits.shape[1]

    y32 = y.astype(jnp.int32)
    y_edge = _make_sc_gather(n, e)(y32, edge_index.astype(jnp.int32))

    nt = n
    et = 16000
    assert n % nt == 0 and e % et == 0

    labels_t, ncll, ntll = pl.pallas_call(
        functools.partial(_node_body, nt, y_dim),
        grid=(n // nt,),
        in_specs=[
            pl.BlockSpec((nt, k), lambda i: (i, 0)),
            pl.BlockSpec((1, nt), lambda i: (0, i)),
            _full_spec(),
            _full_spec(),
            _full_spec(),
        ],
        out_specs=[
            pl.BlockSpec((y_dim, nt), lambda i: (0, i)),
            _scalar_spec(),
            _scalar_spec(),
        ],
        out_shape=[
            jax.ShapeDtypeStruct((y_dim, n), jnp.float32),
            jax.ShapeDtypeStruct((1, 1), jnp.float32),
            jax.ShapeDtypeStruct((1, 1), jnp.float32),
        ],
    )(x, y32.reshape(1, n), W_node_em.T, log_prior_node.reshape(c, 1),
      P_node_logits)

    cll, tll = pl.pallas_call(
        functools.partial(_edge_body, et, y_dim),
        grid=(e // et,),
        in_specs=[
            pl.BlockSpec((d_e, et), lambda i: (0, i)),
            pl.BlockSpec((1, et), lambda i: (0, i)),
            _full_spec(),
            _full_spec(),
            _full_spec(),
            _scalar_spec(),
            _scalar_spec(),
        ],
        out_specs=[_scalar_spec(), _scalar_spec()],
        out_shape=[
            jax.ShapeDtypeStruct((1, 1), jnp.float32),
            jax.ShapeDtypeStruct((1, 1), jnp.float32),
        ],
    )(edge_attr.T, y_edge, W_edge_em.T,
      log_prior_edge.reshape(ca, 1), P_edge_logits, ncll, ntll)

    return labels_t.T, cll.reshape(()), tll.reshape(())

# --- scband reference (transcript-rebuilt; emitter-appended) ---
"""Pipeline reference for scband-ecgmm-29102698398079 (READ-ONLY COPY).

The authoritative reference and input builder live on the scoring server;
editing this copy changes nothing except your own understanding.
"""

import jax, jax.numpy as jnp
import numpy as np

N, E, K, D_E, C, CA, Y, G = 10000, 320000, 128, 16, 20, 20, 10, 128
EPS = 1e-12


def setup_inputs(seed: int = 0) -> dict:
    key = jax.random.key(seed)
    ks = jax.random.split(key, 12)
    x = jax.random.normal(ks[0], (N, K), dtype=jnp.float32)
    edge_index = jax.random.randint(ks[1], (2, E), 0, N)
    edge_attr = jax.random.normal(ks[2], (E, D_E), dtype=jnp.float32)
    batch = jnp.sort(jax.random.randint(ks[3], (N,), 0, G))
    y = jax.random.randint(ks[4], (N,), 0, Y)
    W_node_em = jax.random.normal(ks[5], (K, C), dtype=jnp.float32) * 0.1
    log_prior_node = jax.random.normal(ks[6], (C,), dtype=jnp.float32) * 0.1
    W_edge_em = jax.random.normal(ks[7], (D_E, CA), dtype=jnp.float32) * 0.1
    log_prior_edge = jax.random.normal(ks[8], (CA,), dtype=jnp.float32) * 0.1
    P_node_logits = jax.random.normal(ks[9], (C, Y), dtype=jnp.float32) * 0.1
    P_edge_logits = jax.random.normal(ks[10], (CA, Y), dtype=jnp.float32) * 0.1
    return {"x": x, "edge_index": edge_index, "edge_attr": edge_attr, "batch": batch, "y": y,
            "W_node_em": W_node_em, "log_prior_node": log_prior_node,
            "W_edge_em": W_edge_em, "log_prior_edge": log_prior_edge,
            "P_node_logits": P_node_logits, "P_edge_logits": P_edge_logits}


def reference(x, edge_index, edge_attr, batch, y, W_node_em, log_prior_node, W_edge_em, log_prior_edge, P_node_logits, P_edge_logits):
    # First-layer ECGMM E-step (BaseTransition + mixture readout), eval mode.
    # node/edge transition e_step: posterior over hidden states given observables
    node_p_Q = jax.nn.softmax(x @ W_node_em + log_prior_node, axis=1)   # [N, C], rows sum to 1
    edge_p_Q = jax.nn.softmax(edge_attr @ W_edge_em + log_prior_edge, axis=1)  # [E, CA]
    # readout emission tables p(y | Q)
    P_node = jax.nn.softmax(P_node_logits, axis=1)  # [C, Y]
    P_edge = jax.nn.softmax(P_edge_logits, axis=1)  # [CA, Y]
    # gathers over the graph structure (sparse / memory-bound)
    src = edge_index[0]
    edge_batch = jnp.take(batch, src)          # batch[data.edge_index[0]]
    y_edge = jnp.take(y, src)                  # edge targets derived from source node labels
    # readout e_step: readout_posterior[n, c] = p(y_n | Q=c)
    node_ro = jnp.take(P_node, y, axis=1).T    # [N, C]
    edge_ro = jnp.take(P_edge, y_edge, axis=1).T  # [E, CA]
    node_true_ll = jnp.sum(jnp.log(jnp.sum(node_p_Q * node_ro, axis=1) + EPS))
    edge_true_ll = jnp.sum(jnp.log(jnp.sum(edge_p_Q * edge_ro, axis=1) + EPS))
    true_log_likelihood = node_true_ll + edge_true_ll
    # infer: likely labels as marginal p(y | obs)
    node_likely_labels = node_p_Q @ P_node     # [N, Y]
    # _e_step_node (node/edge-level classification branch): posterior eui and complete LL
    unnorm_n = node_p_Q * node_ro
    eui_n = unnorm_n / (jnp.sum(unnorm_n, axis=1, keepdims=True) + EPS)
    node_cll = jnp.sum(eui_n * (jnp.log(node_p_Q + EPS) + jnp.log(node_ro + EPS)))
    unnorm_e = edge_p_Q * edge_ro
    eui_e = unnorm_e / (jnp.sum(unnorm_e, axis=1, keepdims=True) + EPS)
    edge_cll = jnp.sum(eui_e * (jnp.log(edge_p_Q + EPS) + jnp.log(edge_ro + EPS)))
    complete_log_likelihood = node_cll + edge_cll
    return (node_likely_labels, complete_log_likelihood, true_log_likelihood)

if __name__ == "__main__":
    import jax
    _d = setup_inputs()
    print(jax.jit(kernel)(*tuple(_d.values())))

</pallas_src>

<mosaic_0001>
#map = affine_map<(d0, d1) -> (0)>
#map1 = affine_map<(d0, d1) -> (0, 0)>
module attributes {stable_mosaic.version = 14 : i64} {
  func.func @gather_k(%arg0: i32, %arg1: i32, %arg2: memref<10000xi32, #tpu.memory_space<hbm>>, %arg3: memref<2x320000xi32, #tpu.memory_space<hbm>>, %arg4: memref<1x320000xi32, #tpu.memory_space<hbm>>, %arg5: memref<10000xi32, #tpu.memory_space<vmem>>, %arg6: memref<2x12800xi32, #tpu.memory_space<vmem>>, %arg7: memref<12800xi32, #tpu.memory_space<vmem>>) attributes {dimension_semantics = [#tpu.dimension_semantics<core_parallel>, #tpu.dimension_semantics<subcore_parallel>], iteration_bounds = array<i64: 2, 16>, scalar_prefetch = 0 : i64, scratch_operands = 3 : i64, tpu.core_type = #tpu.core_type<sc_vector_subcore>, window_params = [{transform_indices = #map}, {transform_indices = #map1}, {transform_indices = #map1}]} {
    %mul3A = arith.constant 2 : i32
    %mul3A_0 = arith.muli %arg1, %mul3A : i32
    %add3A = arith.addi %mul3A_0, %arg0 : i32
    %lt3A = arith.constant 25 : i32
    %lt3A_1 = arith.cmpi slt, %add3A, %lt3A : i32
    %convert_element_type3A = arith.extui %lt3A_1 : i1 to i32
    %cond3A = arith.constant 0 : i32
    %cond3A_2 = arith.cmpi ne, %convert_element_type3A, %cond3A : i32
    scf.if %cond3A_2 {
      %mul3A_3 = arith.constant 12800 : i32
      %mul3A_4 = arith.muli %add3A, %mul3A_3 : i32
      "tpu.region"() ({
        %run_scoped3A_7 = tpu.sem_alloc : memref<!tpu.dma_semaphore, #tpu.memory_space<semaphore_mem>>
        tpu.enqueue_dma source(%arg2 : memref<10000xi32, #tpu.memory_space<hbm>>) target(%arg5 : memref<10000xi32, #tpu.memory_space<vmem>>) target_semaphore(%run_scoped3A_7 : memref<!tpu.dma_semaphore, #tpu.memory_space<semaphore_mem>>)
        tpu.wait_dma2 semaphore(%run_scoped3A_7 : memref<!tpu.dma_semaphore, #tpu.memory_space<semaphore_mem>>) src(%arg2 : memref<10000xi32, #tpu.memory_space<hbm>>) dst(%arg5 : memref<10000xi32, #tpu.memory_space<vmem>>)
        tpu.yield
      }) : () -> ()
      "tpu.region"() ({
        %run_scoped3A_7 = tpu.sem_alloc : memref<!tpu.dma_semaphore, #tpu.memory_space<semaphore_mem>>
        %dma_start3A = arith.constant 0 : i32
        %dma_start3A_8 = tpu.memref_slice %arg3[%dma_start3A, %mul3A_4] : memref<2x320000xi32, #tpu.memory_space<hbm>> -> memref<2x12800xi32, #tpu.memory_space<hbm>>
        %dma_start3A_9 = arith.constant 0 : i32
        %dma_start3A_10 = tpu.memref_slice %arg3[%dma_start3A_9, %mul3A_4] : memref<2x320000xi32, #tpu.memory_space<hbm>> -> memref<2x12800xi32, #tpu.memory_space<hbm>>
        tpu.enqueue_dma source(%dma_start3A_10 : memref<2x12800xi32, #tpu.memory_space<hbm>>) target(%arg6 : memref<2x12800xi32, #tpu.memory_space<vmem>>) target_semaphore(%run_scoped3A_7 : memref<!tpu.dma_semaphore, #tpu.memory_space<semaphore_mem>>)
        %dma_wait3A = arith.constant 0 : i32
        %dma_wait3A_11 = tpu.memref_slice %arg3[%dma_wait3A, %mul3A_4] : memref<2x320000xi32, #tpu.memory_space<hbm>> -> memref<2x12800xi32, #tpu.memory_space<hbm>>
        %dma_wait3A_12 = arith.constant 0 : i32
        %dma_wait3A_13 = tpu.memref_slice %arg3[%dma_wait3A_12, %mul3A_4] : memref<2x320000xi32, #tpu.memory_space<hbm>> -> memref<2x12800xi32, #tpu.memory_space<hbm>>
        tpu.wait_dma2 semaphore(%run_scoped3A_7 : memref<!tpu.dma_semaphore, #tpu.memory_space<semaphore_mem>>) src(%dma_wait3A_13 : memref<2x12800xi32, #tpu.memory_space<hbm>>) dst(%arg6 : memref<2x12800xi32, #tpu.memory_space<vmem>>)
        tpu.yield
      }) : () -> ()
      %parallel_loop3A = arith.constant 0 : i32
      %parallel_loop3A_5 = arith.constant 12800 : i32
      %parallel_loop3A_6 = arith.constant 16 : i32
      scf.for %parallel_loop3A_7 = %parallel_loop3A to %parallel_loop3A_5 step %parallel_loop3A_6  : i32 {
        %parallel_loop3A_8 = arith.constant 0 : i32
        %parallel_loop3A_9 = arith.index_cast %parallel_loop3A_8 : i32 to index
        %parallel_loop3A_10 = arith.index_cast %parallel_loop3A_7 : i32 to index
        %parallel_loop3A_11 = tpu.vector_load %arg6[%parallel_loop3A_9, %parallel_loop3A_10] {strides = array<i32>} : memref<2x12800xi32, #tpu.memory_space<vmem>>, vector<16xi32>,
        %parallel_loop3A_12 = tpu.vector_load_idx %arg5[%parallel_loop3A_11] : memref<10000xi32, #tpu.memory_space<vmem>>[vector<16xi32>], vector<16xi32>,
        %parallel_loop3A_13 = arith.index_cast %parallel_loop3A_7 : i32 to index
        %parallel_loop3A_14 = tpu.vector_load %arg7[%parallel_loop3A_13] {strides = array<i32>} : memref<12800xi32, #tpu.memory_space<vmem>>, vector<16xi32>,
        tpu.vector_store %arg7[%parallel_loop3A_13], %parallel_loop3A_12 {strides = array<i32>} : memref<12800xi32, #tpu.memory_space<vmem>>, vector<16xi32>,
      } {sc.loop_unroll_factor = 8 : i64, sc.parallel_access}
      %run_scoped3A = arith.constant 0 : i32
      "tpu.region"() ({
        %run_scoped3A_7 = tpu.sem_alloc : memref<!tpu.dma_semaphore, #tpu.memory_space<semaphore_mem>>
        %dma_start3A = tpu.memref_slice %arg4[%run_scoped3A, %mul3A_4] : memref<1x320000xi32, #tpu.memory_space<hbm>> -> memref<1x12800xi32, #tpu.memory_space<hbm>>
        %dma_start3A_8 = tpu.memref_squeeze %dma_start3A : memref<1x12800xi32, #tpu.memory_space<hbm>> -> memref<12800xi32, #tpu.memory_space<hbm>>
        %dma_start3A_9 = tpu.memref_slice %arg4[%run_scoped3A, %mul3A_4] : memref<1x320000xi32, #tpu.memory_space<hbm>> -> memref<1x12800xi32, #tpu.memory_space<hbm>>
        %dma_start3A_10 = tpu.memref_squeeze %dma_start3A_9 : memref<1x12800xi32, #tpu.memory_space<hbm>> -> memref<12800xi32, #tpu.memory_space<hbm>>
        tpu.enqueue_dma source(%arg7 : memref<12800xi32, #tpu.memory_space<vmem>>) target(%dma_start3A_10 : memref<12800xi32, #tpu.memory_space<hbm>>) target_semaphore(%run_scoped3A_7 : memref<!tpu.dma_semaphore, #tpu.memory_space<semaphore_mem>>)
        %dma_wait3A = tpu.memref_slice %arg4[%run_scoped3A, %mul3A_4] : memref<1x320000xi32, #tpu.memory_space<hbm>> -> memref<1x12800xi32, #tpu.memory_space<hbm>>
        %dma_wait3A_11 = tpu.memref_squeeze %dma_wait3A : memref<1x12800xi32, #tpu.memory_space<hbm>> -> memref<12800xi32, #tpu.memory_space<hbm>>
        %dma_wait3A_12 = tpu.memref_slice %arg4[%run_scoped3A, %mul3A_4] : memref<1x320000xi32, #tpu.memory_space<hbm>> -> memref<1x12800xi32, #tpu.memory_space<hbm>>
        %dma_wait3A_13 = tpu.memref_squeeze %dma_wait3A_12 : memref<1x12800xi32, #tpu.memory_space<hbm>> -> memref<12800xi32, #tpu.memory_space<hbm>>
        tpu.wait_dma2 semaphore(%run_scoped3A_7 : memref<!tpu.dma_semaphore, #tpu.memory_space<semaphore_mem>>) src(%arg7 : memref<12800xi32, #tpu.memory_space<vmem>>) dst(%dma_wait3A_13 : memref<12800xi32, #tpu.memory_space<hbm>>)
        tpu.yield
      }) : () -> ()
    } else {
    }
    return
  }
}

module attributes {stable_mosaic.version = 14 : i64} {
  func.func @_edge_body(%arg0: i32, %arg1: memref<16x16000xf32, #tpu.memory_space<vmem>>, %arg2: memref<1x16000xi32, #tpu.memory_space<vmem>>, %arg3: memref<20x16xf32, #tpu.memory_space<vmem>>, %arg4: memref<20x1xf32, #tpu.memory_space<vmem>>, %arg5: memref<20x10xf32, #tpu.memory_space<vmem>>, %arg6: memref<1x1xf32, #tpu.memory_space<smem>>, %arg7: memref<1x1xf32, #tpu.memory_space<smem>>, %arg8: memref<1x1xf32, #tpu.memory_space<smem>>, %arg9: memref<1x1xf32, #tpu.memory_space<smem>>) attributes {dimension_semantics = [#tpu.dimension_semantics<arbitrary>], iteration_bounds = array<i64: 20>, scalar_prefetch = 0 : i64, scratch_operands = 0 : i64, tpu.core_type = #tpu.core_type<tc>, window_params = [{transform_indices = @transform_0, window_bounds = array<i64: 16, 16000>}, {transform_indices = @transform_1, window_bounds = array<i64: 1, 16000>}, {pipeline_mode = #tpu.pipeline_mode<synchronous>, transform_indices = @transform_2, window_bounds = array<i64: 20, 16>}, {pipeline_mode = #tpu.pipeline_mode<synchronous>, transform_indices = @transform_3, window_bounds = array<i64: 20, 1>}, {pipeline_mode = #tpu.pipeline_mode<synchronous>, transform_indices = @transform_4, window_bounds = array<i64: 20, 10>}, {transform_indices = @transform_5, window_bounds = array<i64: 1, 1>}, {transform_indices = @transform_6, window_bounds = array<i64: 1, 1>}, {transform_indices = @transform_7, window_bounds = array<i64: 1, 1>}, {transform_indices = @transform_8, window_bounds = array<i64: 1, 1>}]} {
    %get3A = arith.constant 0 : index
    %get3A_0 = arith.constant 0 : index
    %get3A_1 = vector.load %arg3[%get3A, %get3A_0] : memref<20x16xf32, #tpu.memory_space<vmem>>, vector<20x16xf32>
    %get3A_2 = arith.constant 0 : index
    %get3A_3 = arith.constant 0 : index
    %get3A_4 = vector.load %arg1[%get3A_2, %get3A_3] : memref<16x16000xf32, #tpu.memory_space<vmem>>, vector<16x16000xf32>
    %dot_general3A = arith.constant dense<0.000000e+00> : vector<20x16000xf32>
    %dot_general3A_5 = tpu.matmul %get3A_1, %get3A_4, %dot_general3A {dimension_numbers = #tpu.dot_dimension_numbers<[1], [0], [0], [1], [0, 0, 1, 1], [], []>, transpose_lhs_hint = false} : vector<20x16xf32>, vector<16x16000xf32>, vector<20x16000xf32> -> vector<20x16000xf32>
    %get3A_6 = arith.constant 0 : index
    %get3A_7 = arith.constant 0 : index
    %get3A_8 = vector.load %arg4[%get3A_6, %get3A_7] : memref<20x1xf32, #tpu.memory_space<vmem>>, vector<20x1xf32>
    %sub3A = arith.constant 3.200000e+01 : f32
    %sub3A_9 = vector.broadcast %sub3A : f32 to vector<20x1xf32>
    %sub3A_10 = arith.subf %get3A_8, %sub3A_9 : vector<20x1xf32>
    %add3A = vector.broadcast %sub3A_10 : vector<20x1xf32> to vector<20x16000xf32>
    %add3A_11 = arith.addf %dot_general3A_5, %add3A : vector<20x16000xf32>
    %get3A_12 = arith.constant 0 : index
    %get3A_13 = arith.constant 0 : index
    %get3A_14 = vector.load %arg5[%get3A_12, %get3A_13] : memref<20x10xf32, #tpu.memory_space<vmem>>, vector<20x10xf32>
    %reduce_max3A = arith.constant dense<0xFF800000> : vector<20xf32>
    %reduce_max3A_15 = vector.multi_reduction <maximumf>, %get3A_14, %reduce_max3A [1] : vector<20x10xf32> to vector<20xf32>
    %broadcast_in_dim3A = vector.shape_cast %reduce_max3A_15 : vector<20xf32> to vector<20x1xf32>
    %sub3A_16 = vector.broadcast %broadcast_in_dim3A : vector<20x1xf32> to vector<20x10xf32>
    %sub3A_17 = arith.subf %get3A_14, %sub3A_16 : vector<20x10xf32>
    %exp3A = math.exp %sub3A_17 : vector<20x10xf32>
    %reduce_sum3A = arith.constant dense<0.000000e+00> : vector<20xf32>
    %reduce_sum3A_18 = vector.multi_reduction <add>, %exp3A, %reduce_sum3A [1] : vector<20x10xf32> to vector<20xf32>
    %broadcast_in_dim3A_19 = vector.shape_cast %reduce_sum3A_18 : vector<20xf32> to vector<20x1xf32>
    %div3A = vector.broadcast %broadcast_in_dim3A_19 : vector<20x1xf32> to vector<20x10xf32>
    %div3A_20 = arith.divf %exp3A, %div3A : vector<20x10xf32>
    %add3A_21 = arith.constant 9.99999996E-13 : f32
    %add3A_22 = vector.broadcast %add3A_21 : f32 to vector<20x10xf32>
    %add3A_23 = arith.addf %div3A_20, %add3A_22 : vector<20x10xf32>
    %log3A = math.log %add3A_23 : vector<20x10xf32>
    %mul3A = arith.mulf %div3A_20, %log3A : vector<20x10xf32>
    %get3A_24 = arith.constant 0 : index
    %get3A_25 = arith.constant 0 : index
    %get3A_26 = vector.load %arg2[%get3A_24, %get3A_25] : memref<1x16000xi32, #tpu.memory_space<vmem>>, vector<1x16000xi32>
    %exp3A_27 = math.exp %add3A_11 : vector<20x16000xf32>
    %mul3A_28 = arith.mulf %exp3A_27, %add3A_11 : vector<20x16000xf32>
    %convert_element_type3A = arith.truncf %exp3A_27 : vector<20x16000xf32> to vector<20x16000xbf16>
    %convert_element_type3A_29 = arith.truncf %mul3A_28 : vector<20x16000xf32> to vector<20x16000xbf16>
    %convert_element_type3A_30 = arith.truncf %div3A_20 : vector<20x10xf32> to vector<20x10xbf16>
    %convert_element_type3A_31 = arith.truncf %mul3A : vector<20x10xf32> to vector<20x10xbf16>
    %iota3A = tpu.iota {dimensions = array<i32: 0>} : vector<10x16000xi32>
    %eq3A = vector.broadcast %get3A_26 : vector<1x16000xi32> to vector<10x16000xi32>
    %eq3A_32 = arith.cmpi eq, %eq3A, %iota3A : vector<10x16000xi32>
    %broadcast_in_dim3A_33 = arith.constant 1.000000e+00 : bf16
    %broadcast_in_dim3A_34 = vector.broadcast %broadcast_in_dim3A_33 : bf16 to vector<1x20xbf16>
    %dot_general3A_35 = arith.constant dense<0.000000e+00> : vector<1x16000xf32>
    %dot_general3A_36 = tpu.matmul %broadcast_in_dim3A_34, %convert_element_type3A, %dot_general3A_35 {dimension_numbers = #tpu.dot_dimension_numbers<[1], [0], [0], [1], [0, 0, 1, 1], [], []>, transpose_lhs_hint = false} : vector<1x20xbf16>, vector<20x16000xbf16>, vector<1x16000xf32> -> vector<1x16000xf32>
    %dot_general3A_37 = arith.constant dense<0.000000e+00> : vector<10x16000xf32>
    %dot_general3A_38 = tpu.matmul %convert_element_type3A_30, %convert_element_type3A, %dot_general3A_37 {dimension_numbers = #tpu.dot_dimension_numbers<[0], [0], [1], [1], [0, 1, 1, 1], [], []>, transpose_lhs_hint = false} : vector<20x10xbf16>, vector<20x16000xbf16>, vector<10x16000xf32> -> vector<10x16000xf32>
    %dot_general3A_39 = arith.constant dense<0.000000e+00> : vector<10x16000xf32>
    %dot_general3A_40 = tpu.matmul %convert_element_type3A_30, %convert_element_type3A_29, %dot_general3A_39 {dimension_numbers = #tpu.dot_dimension_numbers<[0], [0], [1], [1], [0, 1, 1, 1], [], []>, transpose_lhs_hint = false} : vector<20x10xbf16>, vector<20x16000xbf16>, vector<10x16000xf32> -> vector<10x16000xf32>
    %dot_general3A_41 = arith.constant dense<0.000000e+00> : vector<10x16000xf32>
    %dot_general3A_42 = tpu.matmul %convert_element_type3A_31, %convert_element_type3A, %dot_general3A_41 {dimension_numbers = #tpu.dot_dimension_numbers<[0], [0], [1], [1], [0, 1, 1, 1], [], []>, transpose_lhs_hint = false} : vector<20x10xbf16>, vector<20x16000xbf16>, vector<10x16000xf32> -> vector<10x16000xf32>
    %add3A_43 = arith.addf %dot_general3A_40, %dot_general3A_42 : vector<10x16000xf32>
    %jit3A = arith.constant 0.000000e+00 : f32
    %broadcast_in_dim3A_44 = vector.broadcast %jit3A : f32 to vector<10x16000xf32>
    %select_n3A = arith.select %eq3A_32, %dot_general3A_38, %broadcast_in_dim3A_44 : vector<10x16000xi1>, vector<10x16000xf32>
    %reduce_sum3A_45 = arith.constant dense<0.000000e+00> : vector<16000xf32>
    %reduce_sum3A_46 = vector.multi_reduction <add>, %select_n3A, %reduce_sum3A_45 [0] : vector<10x16000xf32> to vector<16000xf32>
    %broadcast_in_dim3A_47 = vector.shape_cast %reduce_sum3A_46 : vector<16000xf32> to vector<1x16000xf32>
    %jit3A_48 = arith.constant 0.000000e+00 : f32
    %broadcast_in_dim3A_49 = vector.broadcast %jit3A_48 : f32 to vector<10x16000xf32>
    %select_n3A_50 = arith.select %eq3A_32, %add3A_43, %broadcast_in_dim3A_49 : vector<10x16000xi1>, vector<10x16000xf32>
    %reduce_sum3A_51 = arith.constant dense<0.000000e+00> : vector<16000xf32>
    %reduce_sum3A_52 = vector.multi_reduction <add>, %select_n3A_50, %reduce_sum3A_51 [0] : vector<10x16000xf32> to vector<16000xf32>
    %broadcast_in_dim3A_53 = vector.shape_cast %reduce_sum3A_52 : vector<16000xf32> to vector<1x16000xf32>
    %log3A_54 = math.log %dot_general3A_36 : vector<1x16000xf32>
    %reduce_sum3A_55 = vector.shape_cast %log3A_54 : vector<1x16000xf32> to vector<1x1x16000xf32>
    %reduce_sum3A_56 = arith.constant dense<0.000000e+00> : vector<1xf32>
    %reduce_sum3A_57 = vector.multi_reduction <add>, %reduce_sum3A_55, %reduce_sum3A_56 [1, 2] : vector<1x1x16000xf32> to vector<1xf32>
    %reduce_sum3A_58 = vector.shape_cast %reduce_sum3A_57 : vector<1xf32> to vector<1x1x1xf32>
    %reduce_sum3A_59 = vector.extract %reduce_sum3A_58[0, 0, 0] : f32 from vector<1x1x1xf32>
    %log3A_60 = math.log %broadcast_in_dim3A_47 : vector<1x16000xf32>
    %reduce_sum3A_61 = vector.shape_cast %log3A_60 : vector<1x16000xf32> to vector<1x1x16000xf32>
    %reduce_sum3A_62 = arith.constant dense<0.000000e+00> : vector<1xf32>
    %reduce_sum3A_63 = vector.multi_reduction <add>, %reduce_sum3A_61, %reduce_sum3A_62 [1, 2] : vector<1x1x16000xf32> to vector<1xf32>
    %reduce_sum3A_64 = vector.shape_cast %reduce_sum3A_63 : vector<1xf32> to vector<1x1x1xf32>
    %reduce_sum3A_65 = vector.extract %reduce_sum3A_64[0, 0, 0] : f32 from vector<1x1x1xf32>
    %sub3A_66 = arith.subf %reduce_sum3A_65, %reduce_sum3A_59 : f32
    %div3A_67 = arith.divf %broadcast_in_dim3A_53, %broadcast_in_dim3A_47 : vector<1x16000xf32>
    %reduce_sum3A_68 = vector.shape_cast %div3A_67 : vector<1x16000xf32> to vector<1x1x16000xf32>
    %reduce_sum3A_69 = arith.constant dense<0.000000e+00> : vector<1xf32>
    %reduce_sum3A_70 = vector.multi_reduction <add>, %reduce_sum3A_68, %reduce_sum3A_69 [1, 2] : vector<1x1x16000xf32> to vector<1xf32>
    %reduce_sum3A_71 = vector.shape_cast %reduce_sum3A_70 : vector<1xf32> to vector<1x1x1xf32>
    %reduce_sum3A_72 = vector.extract %reduce_sum3A_71[0, 0, 0] : f32 from vector<1x1x1xf32>
    %sub3A_73 = arith.subf %reduce_sum3A_72, %reduce_sum3A_59 : f32
    %eq3A_74 = arith.constant 0 : i32
    %eq3A_75 = arith.cmpi eq, %arg0, %eq3A_74 : i32
    %convert_element_type3A_76 = arith.extui %eq3A_75 : i1 to i32
    %cond3A = arith.constant 0 : i32
    %cond3A_77 = arith.cmpi ne, %convert_element_type3A_76, %cond3A : i32
    scf.if %cond3A_77 {
      %get3A_91 = arith.constant 0 : index
      %get3A_92 = arith.constant 0 : index
      %get3A_93 = memref.load %arg6[%get3A_91, %get3A_92] : memref<1x1xf32, #tpu.memory_space<smem>>
      %swap3A_94 = arith.constant 0 : index
      %swap3A_95 = arith.constant 0 : index
      %swap3A_96 = memref.load %arg8[%swap3A_94, %swap3A_95] : memref<1x1xf32, #tpu.memory_space<smem>>
      memref.store %get3A_93, %arg8[%swap3A_94, %swap3A_95] : memref<1x1xf32, #tpu.memory_space<smem>>
      %get3A_97 = arith.constant 0 : index
      %get3A_98 = arith.constant 0 : index
      %get3A_99 = memref.load %arg7[%get3A_97, %get3A_98] : memref<1x1xf32, #tpu.memory_space<smem>>
      %swap3A_100 = arith.constant 0 : index
      %swap3A_101 = arith.constant 0 : index
      %swap3A_102 = memref.load %arg9[%swap3A_100, %swap3A_101] : memref<1x1xf32, #tpu.memory_space<smem>>
      memref.store %get3A_99, %arg9[%swap3A_100, %swap3A_101] : memref<1x1xf32, #tpu.memory_space<smem>>
    } else {
    }
    %get3A_78 = arith.constant 0 : index
    %get3A_79 = arith.constant 0 : index
    %get3A_80 = memref.load %arg8[%get3A_78, %get3A_79] : memref<1x1xf32, #tpu.memory_space<smem>>
    %add3A_81 = arith.addf %get3A_80, %sub3A_73 : f32
    %swap3A = arith.constant 0 : index
    %swap3A_82 = arith.constant 0 : index
    %swap3A_83 = memref.load %arg8[%swap3A, %swap3A_82] : memref<1x1xf32, #tpu.memory_space<smem>>
    memref.store %add3A_81, %arg8[%swap3A, %swap3A_82] : memref<1x1xf32, #tpu.memory_space<smem>>
    %get3A_84 = arith.constant 0 : index
    %get3A_85 = arith.constant 0 : index
    %get3A_86 = memref.load %arg9[%get3A_84, %get3A_85] : memref<1x1xf32, #tpu.memory_space<smem>>
    %add3A_87 = arith.addf %get3A_86, %sub3A_66 : f32
    %swap3A_88 = arith.constant 0 : index
    %swap3A_89 = arith.constant 0 : index
    %swap3A_90 = memref.load %arg9[%swap3A_88, %swap3A_89] : memref<1x1xf32, #tpu.memory_space<smem>>
    memref.store %add3A_87, %arg9[%swap3A_88, %swap3A_89] : memref<1x1xf32, #tpu.memory_space<smem>>
    return
  }
  func.func @transform_0(%arg0: i32) -> (i32, i32) {
    %c0_i32 = arith.constant 0 : i32
    %c0_i32_0 = arith.constant 0 : i32
    return %c0_i32, %arg0 : i32, i32
  }
  func.func @transform_1(%arg0: i32) -> (i32, i32) {
    %c0_i32 = arith.constant 0 : i32
    %c0_i32_0 = arith.constant 0 : i32
    return %c0_i32, %arg0 : i32, i32
  }
  func.func @transform_2(%arg0: i32) -> (i32, i32) {
    %c0_i32 = arith.constant 0 : i32
    %c0_i32_0 = arith.constant 0 : i32
    %c0_i32_1 = arith.constant 0 : i32
    return %c0_i32, %c0_i32_0 : i32, i32
  }
  func.func @transform_3(%arg0: i32) -> (i32, i32) {
    %c0_i32 = arith.constant 0 : i32
    %c0_i32_0 = arith.constant 0 : i32
    %c0_i32_1 = arith.constant 0 : i32
    return %c0_i32, %c0_i32_0 : i32, i32
  }
  func.func @transform_4(%arg0: i32) -> (i32, i32) {
    %c0_i32 = arith.constant 0 : i32
    %c0_i32_0 = arith.constant 0 : i32
    %c0_i32_1 = arith.constant 0 : i32
    return %c0_i32, %c0_i32_0 : i32, i32
  }
  func.func @transform_5(%arg0: i32) -> (i32, i32) {
    %c0_i32 = arith.constant 0 : i32
    %c0_i32_0 = arith.constant 0 : i32
    %c0_i32_1 = arith.constant 0 : i32
    return %c0_i32, %c0_i32_0 : i32, i32
  }
  func.func @transform_6(%arg0: i32) -> (i32, i32) {
    %c0_i32 = arith.constant 0 : i32
    %c0_i32_0 = arith.constant 0 : i32
    %c0_i32_1 = arith.constant 0 : i32
    return %c0_i32, %c0_i32_0 : i32, i32
  }
  func.func @transform_7(%arg0: i32) -> (i32, i32) {
    %c0_i32 = arith.constant 0 : i32
    %c0_i32_0 = arith.constant 0 : i32
    %c0_i32_1 = arith.constant 0 : i32
    return %c0_i32, %c0_i32_0 : i32, i32
  }
  func.func @transform_8(%arg0: i32) -> (i32, i32) {
    %c0_i32 = arith.constant 0 : i32
    %c0_i32_0 = arith.constant 0 : i32
    %c0_i32_1 = arith.constant 0 : i32
    return %c0_i32, %c0_i32_0 : i32, i32
  }
}

module attributes {stable_mosaic.version = 14 : i64} {
  func.func @_node_body(%arg0: i32, %arg1: memref<10000x128xf32, #tpu.memory_space<vmem>>, %arg2: memref<1x10000xi32, #tpu.memory_space<vmem>>, %arg3: memref<20x128xf32, #tpu.memory_space<vmem>>, %arg4: memref<20x1xf32, #tpu.memory_space<vmem>>, %arg5: memref<20x10xf32, #tpu.memory_space<vmem>>, %arg6: memref<10x10000xf32, #tpu.memory_space<vmem>>, %arg7: memref<1x1xf32, #tpu.memory_space<smem>>, %arg8: memref<1x1xf32, #tpu.memory_space<smem>>) attributes {dimension_semantics = [#tpu.dimension_semantics<arbitrary>], iteration_bounds = array<i64: 1>, scalar_prefetch = 0 : i64, scratch_operands = 0 : i64, tpu.core_type = #tpu.core_type<tc>, window_params = [{transform_indices = @transform_0, window_bounds = array<i64: 10000, 128>}, {transform_indices = @transform_1, window_bounds = array<i64: 1, 10000>}, {pipeline_mode = #tpu.pipeline_mode<synchronous>, transform_indices = @transform_2, window_bounds = array<i64: 20, 128>}, {pipeline_mode = #tpu.pipeline_mode<synchronous>, transform_indices = @transform_3, window_bounds = array<i64: 20, 1>}, {pipeline_mode = #tpu.pipeline_mode<synchronous>, transform_indices = @transform_4, window_bounds = array<i64: 20, 10>}, {transform_indices = @transform_5, window_bounds = array<i64: 10, 10000>}, {transform_indices = @transform_6, window_bounds = array<i64: 1, 1>}, {transform_indices = @transform_7, window_bounds = array<i64: 1, 1>}]} {
    %get3A = arith.constant 0 : index
    %get3A_0 = arith.constant 0 : index
    %get3A_1 = vector.load %arg3[%get3A, %get3A_0] : memref<20x128xf32, #tpu.memory_space<vmem>>, vector<20x128xf32>
    %get3A_2 = arith.constant 0 : index
    %get3A_3 = arith.constant 0 : index
    %get3A_4 = vector.load %arg1[%get3A_2, %get3A_3] : memref<10000x128xf32, #tpu.memory_space<vmem>>, vector<10000x128xf32>
    %dot_general3A = arith.constant dense<0.000000e+00> : vector<20x10000xf32>
    %dot_general3A_5 = tpu.matmul %get3A_1, %get3A_4, %dot_general3A {dimension_numbers = #tpu.dot_dimension_numbers<[1], [1], [0], [0], [0, 0, 1, 0], [], []>, transpose_lhs_hint = false} : vector<20x128xf32>, vector<10000x128xf32>, vector<20x10000xf32> -> vector<20x10000xf32>
    %get3A_6 = arith.constant 0 : index
    %get3A_7 = arith.constant 0 : index
    %get3A_8 = vector.load %arg4[%get3A_6, %get3A_7] : memref<20x1xf32, #tpu.memory_space<vmem>>, vector<20x1xf32>
    %sub3A = arith.constant 3.200000e+01 : f32
    %sub3A_9 = vector.broadcast %sub3A : f32 to vector<20x1xf32>
    %sub3A_10 = arith.subf %get3A_8, %sub3A_9 : vector<20x1xf32>
    %add3A = vector.broadcast %sub3A_10 : vector<20x1xf32> to vector<20x10000xf32>
    %add3A_11 = arith.addf %dot_general3A_5, %add3A : vector<20x10000xf32>
    %get3A_12 = arith.constant 0 : index
    %get3A_13 = arith.constant 0 : index
    %get3A_14 = vector.load %arg5[%get3A_12, %get3A_13] : memref<20x10xf32, #tpu.memory_space<vmem>>, vector<20x10xf32>
    %reduce_max3A = arith.constant dense<0xFF800000> : vector<20xf32>
    %reduce_max3A_15 = vector.multi_reduction <maximumf>, %get3A_14, %reduce_max3A [1] : vector<20x10xf32> to vector<20xf32>
    %broadcast_in_dim3A = vector.shape_cast %reduce_max3A_15 : vector<20xf32> to vector<20x1xf32>
    %sub3A_16 = vector.broadcast %broadcast_in_dim3A : vector<20x1xf32> to vector<20x10xf32>
    %sub3A_17 = arith.subf %get3A_14, %sub3A_16 : vector<20x10xf32>
    %exp3A = math.exp %sub3A_17 : vector<20x10xf32>
    %reduce_sum3A = arith.constant dense<0.000000e+00> : vector<20xf32>
    %reduce_sum3A_18 = vector.multi_reduction <add>, %exp3A, %reduce_sum3A [1] : vector<20x10xf32> to vector<20xf32>
    %broadcast_in_dim3A_19 = vector.shape_cast %reduce_sum3A_18 : vector<20xf32> to vector<20x1xf32>
    %div3A = vector.broadcast %broadcast_in_dim3A_19 : vector<20x1xf32> to vector<20x10xf32>
    %div3A_20 = arith.divf %exp3A, %div3A : vector<20x10xf32>
    %add3A_21 = arith.constant 9.99999996E-13 : f32
    %add3A_22 = vector.broadcast %add3A_21 : f32 to vector<20x10xf32>
    %add3A_23 = arith.addf %div3A_20, %add3A_22 : vector<20x10xf32>
    %log3A = math.log %add3A_23 : vector<20x10xf32>
    %mul3A = arith.mulf %div3A_20, %log3A : vector<20x10xf32>
    %get3A_24 = arith.constant 0 : index
    %get3A_25 = arith.constant 0 : index
    %get3A_26 = vector.load %arg2[%get3A_24, %get3A_25] : memref<1x10000xi32, #tpu.memory_space<vmem>>, vector<1x10000xi32>
    %exp3A_27 = math.exp %add3A_11 : vector<20x10000xf32>
    %mul3A_28 = arith.mulf %exp3A_27, %add3A_11 : vector<20x10000xf32>
    %iota3A = tpu.iota {dimensions = array<i32: 0>} : vector<10x10000xi32>
    %eq3A = vector.broadcast %get3A_26 : vector<1x10000xi32> to vector<10x10000xi32>
    %eq3A_29 = arith.cmpi eq, %eq3A, %iota3A : vector<10x10000xi32>
    %broadcast_in_dim3A_30 = arith.constant 1.000000e+00 : f32
    %broadcast_in_dim3A_31 = vector.broadcast %broadcast_in_dim3A_30 : f32 to vector<1x20xf32>
    %dot_general3A_32 = arith.constant dense<0.000000e+00> : vector<1x10000xf32>
    %dot_general3A_33 = tpu.matmul %broadcast_in_dim3A_31, %exp3A_27, %dot_general3A_32 {dimension_numbers = #tpu.dot_dimension_numbers<[1], [0], [0], [1], [0, 0, 1, 1], [], []>, transpose_lhs_hint = false} : vector<1x20xf32>, vector<20x10000xf32>, vector<1x10000xf32> -> vector<1x10000xf32>
    %dot_general3A_34 = arith.constant dense<0.000000e+00> : vector<10x10000xf32>
    %dot_general3A_35 = tpu.matmul %div3A_20, %exp3A_27, %dot_general3A_34 {dimension_numbers = #tpu.dot_dimension_numbers<[0], [0], [1], [1], [0, 1, 1, 1], [], []>, transpose_lhs_hint = false} : vector<20x10xf32>, vector<20x10000xf32>, vector<10x10000xf32> -> vector<10x10000xf32>
    %dot_general3A_36 = arith.constant dense<0.000000e+00> : vector<10x10000xf32>
    %dot_general3A_37 = tpu.matmul %div3A_20, %mul3A_28, %dot_general3A_36 {dimension_numbers = #tpu.dot_dimension_numbers<[0], [0], [1], [1], [0, 1, 1, 1], [], []>, transpose_lhs_hint = false} : vector<20x10xf32>, vector<20x10000xf32>, vector<10x10000xf32> -> vector<10x10000xf32>
    %dot_general3A_38 = arith.constant dense<0.000000e+00> : vector<10x10000xf32>
    %dot_general3A_39 = tpu.matmul %mul3A, %exp3A_27, %dot_general3A_38 {dimension_numbers = #tpu.dot_dimension_numbers<[0], [0], [1], [1], [0, 1, 1, 1], [], []>, transpose_lhs_hint = false} : vector<20x10xf32>, vector<20x10000xf32>, vector<10x10000xf32> -> vector<10x10000xf32>
    %add3A_40 = arith.addf %dot_general3A_37, %dot_general3A_39 : vector<10x10000xf32>
    %jit3A = arith.constant 0.000000e+00 : f32
    %broadcast_in_dim3A_41 = vector.broadcast %jit3A : f32 to vector<10x10000xf32>
    %select_n3A = arith.select %eq3A_29, %dot_general3A_35, %broadcast_in_dim3A_41 : vector<10x10000xi1>, vector<10x10000xf32>
    %reduce_sum3A_42 = arith.constant dense<0.000000e+00> : vector<10000xf32>
    %reduce_sum3A_43 = vector.multi_reduction <add>, %select_n3A, %reduce_sum3A_42 [0] : vector<10x10000xf32> to vector<10000xf32>
    %broadcast_in_dim3A_44 = vector.shape_cast %reduce_sum3A_43 : vector<10000xf32> to vector<1x10000xf32>
    %jit3A_45 = arith.constant 0.000000e+00 : f32
    %broadcast_in_dim3A_46 = vector.broadcast %jit3A_45 : f32 to vector<10x10000xf32>
    %select_n3A_47 = arith.select %eq3A_29, %add3A_40, %broadcast_in_dim3A_46 : vector<10x10000xi1>, vector<10x10000xf32>
    %reduce_sum3A_48 = arith.constant dense<0.000000e+00> : vector<10000xf32>
    %reduce_sum3A_49 = vector.multi_reduction <add>, %select_n3A_47, %reduce_sum3A_48 [0] : vector<10x10000xf32> to vector<10000xf32>
    %broadcast_in_dim3A_50 = vector.shape_cast %reduce_sum3A_49 : vector<10000xf32> to vector<1x10000xf32>
    %log3A_51 = math.log %dot_general3A_33 : vector<1x10000xf32>
    %reduce_sum3A_52 = vector.shape_cast %log3A_51 : vector<1x10000xf32> to vector<1x1x10000xf32>
    %reduce_sum3A_53 = arith.constant dense<0.000000e+00> : vector<1xf32>
    %reduce_sum3A_54 = vector.multi_reduction <add>, %reduce_sum3A_52, %reduce_sum3A_53 [1, 2] : vector<1x1x10000xf32> to vector<1xf32>
    %reduce_sum3A_55 = vector.shape_cast %reduce_sum3A_54 : vector<1xf32> to vector<1x1x1xf32>
    %reduce_sum3A_56 = vector.extract %reduce_sum3A_55[0, 0, 0] : f32 from vector<1x1x1xf32>
    %log3A_57 = math.log %broadcast_in_dim3A_44 : vector<1x10000xf32>
    %reduce_sum3A_58 = vector.shape_cast %log3A_57 : vector<1x10000xf32> to vector<1x1x10000xf32>
    %reduce_sum3A_59 = arith.constant dense<0.000000e+00> : vector<1xf32>
    %reduce_sum3A_60 = vector.multi_reduction <add>, %reduce_sum3A_58, %reduce_sum3A_59 [1, 2] : vector<1x1x10000xf32> to vector<1xf32>
    %reduce_sum3A_61 = vector.shape_cast %reduce_sum3A_60 : vector<1xf32> to vector<1x1x1xf32>
    %reduce_sum3A_62 = vector.extract %reduce_sum3A_61[0, 0, 0] : f32 from vector<1x1x1xf32>
    %sub3A_63 = arith.subf %reduce_sum3A_62, %reduce_sum3A_56 : f32
    %div3A_64 = arith.divf %broadcast_in_dim3A_50, %broadcast_in_dim3A_44 : vector<1x10000xf32>
    %reduce_sum3A_65 = vector.shape_cast %div3A_64 : vector<1x10000xf32> to vector<1x1x10000xf32>
    %reduce_sum3A_66 = arith.constant dense<0.000000e+00> : vector<1xf32>
    %reduce_sum3A_67 = vector.multi_reduction <add>, %reduce_sum3A_65, %reduce_sum3A_66 [1, 2] : vector<1x1x10000xf32> to vector<1xf32>
    %reduce_sum3A_68 = vector.shape_cast %reduce_sum3A_67 : vector<1xf32> to vector<1x1x1xf32>
    %reduce_sum3A_69 = vector.extract %reduce_sum3A_68[0, 0, 0] : f32 from vector<1x1x1xf32>
    %sub3A_70 = arith.subf %reduce_sum3A_69, %reduce_sum3A_56 : f32
    %div3A_71 = vector.broadcast %dot_general3A_33 : vector<1x10000xf32> to vector<10x10000xf32>
    %div3A_72 = arith.divf %dot_general3A_35, %div3A_71 : vector<10x10000xf32>
    %swap3A = arith.constant 0 : index
    %swap3A_73 = arith.constant 0 : index
    %swap3A_74 = vector.load %arg6[%swap3A, %swap3A_73] : memref<10x10000xf32, #tpu.memory_space<vmem>>, vector<10x10000xf32>
    tpu.vector_store %arg6[%swap3A, %swap3A_73], %div3A_72 {strides = array<i32>} : memref<10x10000xf32, #tpu.memory_space<vmem>>, vector<10x10000xf32>,
    %eq3A_75 = arith.constant 0 : i32
    %eq3A_76 = arith.cmpi eq, %arg0, %eq3A_75 : i32
    %convert_element_type3A = arith.extui %eq3A_76 : i1 to i32
    %cond3A = arith.constant 0 : i32
    %cond3A_77 = arith.cmpi ne, %convert_element_type3A, %cond3A : i32
    scf.if %cond3A_77 {
      %swap3A_92 = arith.constant 0.000000e+00 : f32
      %swap3A_93 = arith.constant 0 : index
      %swap3A_94 = arith.constant 0 : index
      %swap3A_95 = memref.load %arg7[%swap3A_93, %swap3A_94] : memref<1x1xf32, #tpu.memory_space<smem>>
      memref.store %swap3A_92, %arg7[%swap3A_93, %swap3A_94] : memref<1x1xf32, #tpu.memory_space<smem>>
      %swap3A_96 = arith.constant 0.000000e+00 : f32
      %swap3A_97 = arith.constant 0 : index
      %swap3A_98 = arith.constant 0 : index
      %swap3A_99 = memref.load %arg8[%swap3A_97, %swap3A_98] : memref<1x1xf32, #tpu.memory_space<smem>>
      memref.store %swap3A_96, %arg8[%swap3A_97, %swap3A_98] : memref<1x1xf32, #tpu.memory_space<smem>>
    } else {
    }
    %get3A_78 = arith.constant 0 : index
    %get3A_79 = arith.constant 0 : index
    %get3A_80 = memref.load %arg7[%get3A_78, %get3A_79] : memref<1x1xf32, #tpu.memory_space<smem>>
    %add3A_81 = arith.addf %get3A_80, %sub3A_70 : f32
    %swap3A_82 = arith.constant 0 : index
    %swap3A_83 = arith.constant 0 : index
    %swap3A_84 = memref.load %arg7[%swap3A_82, %swap3A_83] : memref<1x1xf32, #tpu.memory_space<smem>>
    memref.store %add3A_81, %arg7[%swap3A_82, %swap3A_83] : memref<1x1xf32, #tpu.memory_space<smem>>
    %get3A_85 = arith.constant 0 : index
    %get3A_86 = arith.constant 0 : index
    %get3A_87 = memref.load %arg8[%get3A_85, %get3A_86] : memref<1x1xf32, #tpu.memory_space<smem>>
    %add3A_88 = arith.addf %get3A_87, %sub3A_63 : f32
    %swap3A_89 = arith.constant 0 : index
    %swap3A_90 = arith.constant 0 : index
    %swap3A_91 = memref.load %arg8[%swap3A_89, %swap3A_90] : memref<1x1xf32, #tpu.memory_space<smem>>
    memref.store %add3A_88, %arg8[%swap3A_89, %swap3A_90] : memref<1x1xf32, #tpu.memory_space<smem>>
    return
  }
  func.func @transform_0(%arg0: i32) -> (i32, i32) {
    %c0_i32 = arith.constant 0 : i32
    %c0_i32_0 = arith.constant 0 : i32
    return %arg0, %c0_i32 : i32, i32
  }
  func.func @transform_1(%arg0: i32) -> (i32, i32) {
    %c0_i32 = arith.constant 0 : i32
    %c0_i32_0 = arith.constant 0 : i32
    return %c0_i32, %arg0 : i32, i32
  }
  func.func @transform_2(%arg0: i32) -> (i32, i32) {
    %c0_i32 = arith.constant 0 : i32
    %c0_i32_0 = arith.constant 0 : i32
    %c0_i32_1 = arith.constant 0 : i32
    return %c0_i32, %c0_i32_0 : i32, i32
  }
  func.func @transform_3(%arg0: i32) -> (i32, i32) {
    %c0_i32 = arith.constant 0 : i32
    %c0_i32_0 = arith.constant 0 : i32
    %c0_i32_1 = arith.constant 0 : i32
    return %c0_i32, %c0_i32_0 : i32, i32
  }
  func.func @transform_4(%arg0: i32) -> (i32, i32) {
    %c0_i32 = arith.constant 0 : i32
    %c0_i32_0 = arith.constant 0 : i32
    %c0_i32_1 = arith.constant 0 : i32
    return %c0_i32, %c0_i32_0 : i32, i32
  }
  func.func @transform_5(%arg0: i32) -> (i32, i32) {
    %c0_i32 = arith.constant 0 : i32
    %c0_i32_0 = arith.constant 0 : i32
    return %c0_i32, %arg0 : i32, i32
  }
  func.func @transform_6(%arg0: i32) -> (i32, i32) {
    %c0_i32 = arith.constant 0 : i32
    %c0_i32_0 = arith.constant 0 : i32
    %c0_i32_1 = arith.constant 0 : i32
    return %c0_i32, %c0_i32_0 : i32, i32
  }
  func.func @transform_7(%arg0: i32) -> (i32, i32) {
    %c0_i32 = arith.constant 0 : i32
    %c0_i32_0 = arith.constant 0 : i32
    %c0_i32_1 = arith.constant 0 : i32
    return %c0_i32, %c0_i32_0 : i32, i32
  }
}

</mosaic_0001>

<sc_bundles>
// kernel: kernel.5.cloned.1.call-start
scs
__scs_entry_jumppad:
0x0: {  	(pc) =	sbr.rel $0x88, $3  }
0x1: {  	(tag) =	ssettag $0x0;
	lr =	simm.s32 $0x1  }
0x2: {  	[smem:$0x3F97] =	sst lr;
	_ =	strace $0xD0000000  }
0x3: {  	_ = 	snop  }
0x4: {  	_ = 	snop  }
0x5: {  	_ = 	snop  }
0x6: {  	_ = 	snop  }
0x7: {  	_ = 	snop  }
__scs_overlays_trampoline_lowered:
0x8: {  	[smem:$0x3FA6] =	sst s0  }
0x9: {  	[smem:$0x3FA7] =	sst s1  }
0xa: {  	[smem:$0x3FA8] =	sst s2  }
0xb: {  	[smem:$0x3FA9] =	sst s3  }
0xc: {  	[smem:$0x3FAA] =	sst s4  }
0xd: {  	[smem:$0x3FAB] =	sst s5  }
0xe: {  	[smem:$0x3FAC] =	sst s6  }
0xf: {  	[smem:$0x3FAD] =	sst s7  }
0x10: {  	[smem:$0x3FAE] =	sst s8  }
0x11: {  	[smem:$0x3FAF] =	sst s9;
	s0 =	simm.s32 @!p0 $0x0  }
0x12: {  	s1 =	sld [smem:$0x3F95];
	s0 =	simm.s32 @p0 $0x1  }
0x13: {  	[smem:$0x3FB0] =	sst s0;
	s0 =	simm.s32 @!p1 $0x0  }
0x14: {  	s2 =	sld [smem:$0x3F94];
	s0 =	simm.s32 @p1 $0x1  }
0x15: {  	[smem:$0x3FB1] =	sst s0;
	s0 =	simm.s32 @!p2 $0x0  }
0x16: {  	s3 =	sld [smem:$0x3FDB];
	s0 =	simm.s32 @p2 $0x1  }
0x17: {  	s4 =	simm.s32 $0x1BF5;
	[smem:$0x3FB3] =	sst s0  }
0x18: {  	s0 =	sld [smem:$0x3F96];
	_ =	swait.ge [sflag:s4], $0x0  }
0x19: {  	s7 =	sld [smem:$0x3F97]  }
0x1a: {  	s8 =	sadd.s32 $0xFFFFE003, lr  }
0x1b: {  	s9 =	sadd.s32 $0xFFFFFEF7, lr;
	s5 =	simm.s32 $0xFFFFFFFF;
	p2 =	slt.u32 s8, $0xFFFFF086  }
0x1c: {  	p1 =	slt.u32 s9, $0xF7A;
	s5 =	simm.s32 @!p2 $0x0  }
0x1d: {  	s5 =	simm.s32 @p1 $0x1;
	p0 =	seq.s32 s7, s2  }
0x1e: {  	s7 =	smul.u32 @!p0 $0xF7A, s2;
	p2 =	seq.s32 @!p0 s5, $0x0  }
0x1f: {  	s9 =	smul.u32 $0xF7A, s1;
	s8 =	simm.s32 @!p0 $0x1BF5;
	p2 =	por !p2, p0  }
0x20: {  	[sflag:s8] =	ssyncset.s32 @!p0 $0xFFFFF086;
	s6 =	sadd.s32 @!p0 s3, s7;
	s7 =	simm.s32 @!p0 $0x108  }
0x21: {  	s3 =	sadd.s32 s3, s9;
	s6 =	sadd.s32 @!p0 $0x88, s6;
	s7 =	simm.s32 @p2 $0x1082  }
0x22: {  	[simem:s7], [sflag:s8] =	dma.local @!p0 [hbm:s6], $0xF7A  }
0x23: {  	s9 =	sor.u32 $0xD0000000, s2;
	s6 =	simm.s32 $0x108;
	_ =	swait.ge @!p0 [sflag:s8], $0x0  }
0x24: {  	s3 =	sadd.s32 $0x88, s3;
	s6 =	simm.s32 @!p1 $0x1082;
	[sflag:s4] =	ssyncset.s32 $0xFFFFF086  }
0x25: {  	[simem:s6], [sflag:s4] =	dma.local [hbm:s3], $0xF7A  }
0x26: {  	[smem:$0x3F97] =	sst s1;
	(tag) =	ssettag s2;
	_ =	strace s9  }
0x27: {  	s1 =	sld [smem:$0x3FA7]  }
0x28: {  	s2 =	sld [smem:$0x3FA8]  }
0x29: {  	s4 =	sld [smem:$0x3FAA]  }
0x2a: {  	p0 =	seq.s32 s5, $0x0;
	s5 =	sld [smem:$0x3FAB]  }
0x2b: {  	s6 =	sld [smem:$0x3FAC]  }
0x2c: {  	s7 =	sld [smem:$0x3FAD]  }
0x2d: {  	s3 =	simm.s32 $0x108;
	s8 =	sld [smem:$0x3FAE]  }
0x2e: {  	s3 =	simm.s32 @!p0 $0x1082;
	s9 =	sld [smem:$0x3FAF]  }
0x2f: {  	lr =	sadd.s32 s0, s3;
	s0 =	sld [smem:$0x3FA6]  }
0x30: {  	s3 =	sld [smem:$0x3FA9]  }
0x31: {  	[smem:$0x3FB2] =	sst s10  }
0x32: {  	s10 =	sld [smem:$0x3FB0];
	_ =	sdelay $0x3  }
0x33: {  	p0 =	seq.s32 s10, $0x1;
	s10 =	sld [smem:$0x3FB2];
	_ =	sdelay $0x3  }
0x34: {  	[smem:$0x3FB2] =	sst s10  }
0x35: {  	s10 =	sld [smem:$0x3FB1];
	_ =	sdelay $0x3  }
0x36: {  	p1 =	seq.s32 s10, $0x1;
	s10 =	sld [smem:$0x3FB2];
	_ =	sdelay $0x3  }
0x37: {  	[smem:$0x3FB2] =	sst s10  }
0x38: {  	s10 =	sld [smem:$0x3FB3]  }
0x39: {  	_ = 	snop;
	(pc) =	sbr.ind lr, $3  }
0x3a: {  	_ = 	snop  }
0x3b: {  	_ = 	snop  }
0x3c: {  	p2 =	seq.s32 s10, $0x1;
	s10 =	sld [smem:$0x3FB2]  }
0x3d: {  	_ =	shalt  }
0x3e: {  	_ =	shalt  }
0x3f: {  	_ =	shalt  }
0x40: {  	_ =	shalt  }
0x41: {  	_ =	shalt  }
0x42: {  	_ =	shalt  }
0x43: {  	_ =	shalt  }
0x44: {  	_ =	shalt  }
0x45: {  	_ =	shalt  }
0x46: {  	_ =	shalt  }
0x47: {  	_ =	shalt  }
0x48: {  	_ =	shalt  }
0x49: {  	_ =	shalt  }
0x4a: {  	_ =	shalt  }
0x4b: {  	_ =	shalt  }
0x4c: {  	_ =	shalt  }
0x4d: {  	_ =	shalt  }
0x4e: {  	_ =	shalt  }
0x4f: {  	_ =	shalt  }
0x50: {  	_ =	shalt  }
0x51: {  	_ =	shalt  }
0x52: {  	_ =	shalt  }
0x53: {  	_ =	shalt  }
0x54: {  	_ =	shalt  }
0x55: {  	_ =	shalt  }
0x56: {  	_ =	shalt  }
0x57: {  	_ =	shalt  }
0x58: {  	_ =	shalt  }
0x59: {  	_ =	shalt  }
0x5a: {  	_ =	shalt  }
0x5b: {  	_ =	shalt  }
0x5c: {  	_ =	shalt  }
0x5d: {  	_ =	shalt  }
0x5e: {  	_ =	shalt  }
0x5f: {  	_ =	shalt  }
0x60: {  	_ =	shalt  }
0x61: {  	_ =	shalt  }
0x62: {  	_ =	shalt  }
0x63: {  	_ =	shalt  }
0x64: {  	_ =	shalt  }
0x65: {  	_ =	shalt  }
0x66: {  	_ =	shalt  }
0x67: {  	_ =	shalt  }
0x68: {  	_ =	shalt  }
0x69: {  	_ =	shalt  }
0x6a: {  	_ =	shalt  }
0x6b: {  	_ =	shalt  }
0x6c: {  	_ =	shalt  }
0x6d: {  	_ =	shalt  }
0x6e: {  	_ =	shalt  }
0x6f: {  	_ =	shalt  }
0x70: {  	_ =	shalt  }
0x71: {  	_ =	shalt  }
0x72: {  	_ =	shalt  }
0x73: {  	_ =	shalt  }
0x74: {  	_ =	shalt  }
0x75: {  	_ =	shalt  }
0x76: {  	_ =	shalt  }
0x77: {  	_ =	shalt  }
0x78: {  	_ =	shalt  }
0x79: {  	_ =	shalt  }
0x7a: {  	_ =	shalt  }
0x7b: {  	_ =	shalt  }
0x7c: {  	_ =	shalt  }
0x7d: {  	_ =	shalt  }
0x7e: {  	_ =	shalt  }
0x7f: {  	_ =	shalt  }
0x80: {  	_ =	shalt  }
0x81: {  	_ =	shalt  }
0x82: {  	_ =	shalt  }
0x83: {  	_ =	shalt  }
0x84: {  	_ =	shalt  }
0x85: {  	_ =	shalt  }
0x86: {  	_ =	shalt  }
0x87: {  	_ =	shalt  }
.Lfunc_end0:
.L_simem_size_0:
called_computation_lowered:
.L_overlay_start_0:
0x88: {  	s2 =	sld [smem:$0x3FD9]  }
0x89: {  	s3 =	sld [smem:$0x3FFE];
	_ =	sdelay $0x1  }
0x8a: {  	s1 =	srdreg.scid  }
0x8b: {  	s0 =	sand.u32 $0x1, s1  }
0x8c: {  	s17 =	sshll.u32 s0, $0xA;
	s2 =	sadd.s32 s3, s2  }
0x8d: {  	s2 =	sadd.s32 s2, s17  }
0x8e: {  	[smem:$0x3FBE] =	sst s2  }
0x8f: {  	_ = 	snop  }
0x90: {  	s2 =	sld [smem:$0x3FC8]  }
0x91: {  	s18 =	sld [smem:$0x3FC6];
	(tm) =	ssettm $0x1  }
0x92: {  	s4 =	sld [smem:$0x3FFB];
	_ =	sdelay $0x3  }
0x93: {  	_ =	strace s4  }
0x94: {  	s4 =	sld [smem:$0x3FFC];
	_ =	sdelay $0x3  }
0x95: {  	_ =	strace s4  }
0x96: {  	s4 =	sld [smem:$0x3FFD];
	_ =	sdelay $0x3  }
0x97: {  	_ =	strace s4  }
0x98: {  	_ =	strace $0x8FFFFFFF  }
0x99: {  	s19 =	sld [smem:$0x3FDB];
	_ =	sdelay $0x1  }
0x9a: {  	s5 =	simm.s32 $_scs_section_size  }
0x9b: {  	s6 =	simm.s32 $_size__tile_overlayer_lowered;
	s7 =	simm.s32 $_tile_overlayer_lowered  }
0x9c: {  	s22 =	simm.s32 $0x1BFF;
	s21 =	sshll.u32 s7, $0x1;
	s4 =	sadd.s32 s5, s19  }
0x9d: {  	s8 =	simm.s32 $0x0;
	s20 =	sshll.u32 s6, $0x1;
	s6 =	sadd.s32 s21, s4  }
0x9e: {  	[timem:s8], [sflag:s22] =	dma.local [hbm:s6], s20  }
0x9f: {  	_ =	swait.ge [sflag:s22], s20  }
0xa0: {  	s5 =	ssub.s32 $0x0, s20;
	[sflag:s22] =	ssyncset.done $0x0  }
0xa1: {  	[sflag:s22] =	ssyncadd.s32 s5;
	_ =	sdelay $0x1  }
0xa2: {  	s23 =	simm.s32 $0x1B8B  }
0xa3: {  	_ =	swait.ge [sflag:s23], $0x1  }
0xa4: {  	[sflag:s23] =	ssyncset.done $0x0  }
0xa5: {  	s25 =	simm.s32 $0x1B8E;
	s24 =	sld [smem:$0x3FFE];
	[sflag:s23] =	ssyncadd.s32 $0xFFFFFFFF  }
0xa6: {  	s26 =	simm.s32 $execute0_lowered;
	[smem:$0x3FD2] =	sst s25  }
0xa7: {  	s6 =	sshll.u32 s26, $0x1;
	_ =	strace $0x80000046;
	[dreg:$0x1] =	wrdreg $0xFFFFFFFF  }
0xa8: {  	s28 =	simm.s32 $_size_execute0_lowered;
	s4 =	sadd.s32 s4, s6;
	[dreg:$0x0] =	wrdreg $0x0  }
0xa9: {  	s6 =	sshll.u32 s28, $0x1;
	[dreg:$0x2] =	wrdreg s4  }
0xaa: {  	[dreg:$0x3] =	wrdreg s6  }
0xab: {  	[dreg:$0x4] =	wrdreg $0xC0  }
0xac: {  	_ =	task [dreg:s8], $0x5FFFF  }
0xad: {  	[dreg:$0x1] =	wrdreg $0xFFFFFFFF  }
0xae: {  	[dreg:$0x0] =	wrdreg $0x60  }
0xaf: {  	[dreg:$0x2] =	wrdreg s18  }
0xb0: {  	[dreg:$0x3] =	wrdreg s2  }
0xb1: {  	[dreg:$0x4] =	wrdreg s24  }
0xb2: {  	[dreg:$0x5] =	wrdreg $0x9  }
0xb3: {  	_ =	task.clear_ibuf [dreg:s8], $0x6FFFF;
	_ =	strace $0x90000046  }
0xb4: {  	s29 =	simm.s32 $0x9;
	_ =	strace $0x80000048  }
0xb5: {  	_ =	swait.ge [sflag:s29], $0x1  }
0xb6: {  	[sflag:s29] =	ssyncadd.s32 $0xFFFFFFFF  }
0xb7: {  	_ =	strace $0x90000048  }
0xb8: {  	_ =	sfence  }
0xb9: {  	s30 =	sld [smem:$0x0];
	_ =	sdelay $0x2  }
0xba: {  	s31 =	sshll.u32 s1, $0xD;
	s1 =	sshrl.u32 s1, $0x2  }
0xbb: {  	s3 =	sand.u32 $0x4000, s31;
	s1 =	sadd.s32 s1, s30  }
0xbc: {  	s0 =	sor.u32 s3, s0;
	s1 =	sshll.u32 s1, $0x11  }
0xbd: {  	s0 =	sor.u32 s1, s0  }
0xbe: {  	s0 =	sadd.s32 $0x8F2B, s0  }
0xbf: {  	[sflag:s0] =	ssyncadd.remote.s32 $0x1  }
0xc0: {  	_ =	sfence.sel $0xFFFF  }
0xc1: {  	[dreg:$0x0] =	wrdreg $0xFFFFFFFF;
	(pc) =	sbr.abs _section_cstart, $3  }
0xc2: {  	[dreg:$0x1] =	wrdreg $0xFFFFFFFF  }
0xc3: {  	_ =	task.clear_ibuf [dreg:s8], $0x2FFFF;
	_ =	strace $0x9FFFFFFF  }
0xc4: {  	(tm) =	ssettm $0x7FFFFFFF  }
0xc5: {  	_ =	shalt  }
tec
execute0_lowered:
.L_overlay_start_1:
0x0: {  	(tag) =	ssettag $0x1  }
0x1: {  	s2 =	srdreg.scid;
	s0 =	stileid.u32  }
0x2: {  	s6 =	sand.u32 $0x1, s2;
	s7 =	sshll.u32 s0, $0x1  }
0x3: {  	s7 =	sor.u32 s6, s7  }
0x4: {  	p0 =	sgt.u32 s7, $0x18  }
.Ltmp0:
0x5: {  	s1 =	rddreg [dreg:$0x0];
	(pc) =	sbr.rel @p0 .LBB2_5-.Ltmp0, $4  }
0x6: {  	s4 =	rddreg [dreg:$0x1]  }
0x7: {  	s5 =	rddreg [dreg:$0x2];
	s3 =	simm.s32 $0x0  }
0x8: {  	[smem:$0x7FF] =	sst s3  }
0x9: {  	s2 =	rddreg [dreg:$0x3];
	_ =	strace $0x80000047  }
0xa: {  	s8 =	smul.u32 $0x640, s7  }
0xb: {  	s31 =	smul.u32 $0xC80, s7;
	s6 =	ssub.s32 $0x2, s6;
	s7 =	simm.s32 $0x1  }
0xc: {  	s10 =	simm.s32 $0x0;
	s9 =	sshrl.u32 s6, $0x1;
	s5 =	sadd.s32 s8, s5  }
0xd: {  	s4 =	sadd.s32 s4, s31;
	s6 =	ssub.s32 s6, s9;
	s8 =	simm.s32 $0x2780  }
0xe: {  	s9 =	simm.s32 $0x8B80;
	s5 =	sadd.s32 $0x1C00, s5;
	s6 =	smax.u32 s6, $0x1  }
.LBB2_2:
0xf: {  	[tilespmem:s3], [sflag:$0x1] =	stream.linear.gather [hbm4b:s1+s3], $0x2780, $0x38;
	[tilespmem:$0xBD80] =	vst v63  }
0x10: {  	_ =	swait.ge [sflag:s7], $0x2780  }
0x11: {  	[sflag:s7] =	ssyncset.done $0x0  }
0x12: {  	[sflag:s7] =	ssyncadd.s32 $0xFFFFD880  }
0x13: {  	[tilespmem:s8], [sflag:$0x1] =	stream.linear.gather [hbm4b:s4+s3], $0x6400, $0x38;
	[tilespmem:$0xBD80] =	vst v63  }
0x14: {  	_ =	swait.ge [sflag:s7], $0x6400  }
0x15: {  	[sflag:s7] =	ssyncset.done $0x0  }
0x16: {  	s11 =	simm.s32 $0x27C0;
	[sflag:s7] =	ssyncadd.s32 $0xFFFF9C00  }
0x17: {  	v0 =	vld [tilespmem:s11+$0x30]  }
0x18: {  	v1 =	vld [tilespmem:s11+$0xFFFFFFD0]  }
0x19: {  	v2 =	vld [tilespmem:s11+$0xFFFFFFE0]  }
0x1a: {  	v3 =	vld [tilespmem:s11+$0xFFFFFFF0]  }
0x1b: {  	v4 =	vld [tilespmem:s11+$0x0]  }
0x1c: {  	v6 =	vld [tilespmem:s11+$0x10]  }
0x1d: {  	v7 =	vld [tilespmem:s11+$0x20]  }
0x1e: {  	v8 =	vld [tilespmem:s11+$0xFFFFFFC0]  }
0x1f: {  	v9 =	vld.idx.msk [tilespmem:v0+s3+$0x0], $0xffff  }
0x20: {  	v10 =	vld.idx.msk [tilespmem:v1+s3+$0x0], $0xffff  }
0x21: {  	v5 =	vld.idx.msk [tilespmem:v2+s3+$0x0], $0xffff  }
0x22: {  	v3 =	vld.idx.msk [tilespmem:v3+s3+$0x0], $0xffff  }
0x23: {  	v0 =	vld.idx.msk [tilespmem:v4+s3+$0x0], $0xffff  }
0x24: {  	s11 =	simm.s32 $0x8BC0;
	v1 =	vld.idx.msk [tilespmem:v6+s3+$0x0], $0xffff  }
0x25: {  	v2 =	vld.idx.msk [tilespmem:v7+s3+$0x0], $0xffff;
	[tilespmem:s11+$0x30] =	vst v9  }
0x26: {  	s12 =	simm.s32 $0x0;
	s13 =	simm.s32 $0x28C0;
	v4 =	vld.idx.msk [tilespmem:v8+s3+$0x0], $0xffff;
	[tilespmem:s11+$0xFFFFFFD0] =	vst v10  }
.LBB2_3:
0x27: {  	v6 =	vld [tilespmem:s13+$0x30];
	s12 =	sadd.s32 $0x80, s12;
	[tilespmem:s11+$0xFFFFFFE0] =	vst v5  }
0x28: {  	v5 =	vld [tilespmem:s13+$0xFFFFFFD0];
	p0 =	slt.u32 s12, $0x3180;
	[tilespmem:s11+$0xFFFFFFF0] =	vst v3  }
0x29: {  	v3 =	vld [tilespmem:s13+$0xFFFFFFE0];
	[tilespmem:s11+$0x0] =	vst v0  }
0x2a: {  	v0 =	vld [tilespmem:s13+$0xFFFFFFF0];
	[tilespmem:s11+$0x10] =	vst v1  }
0x2b: {  	v1 =	vld [tilespmem:s13+$0x0];
	[tilespmem:s11+$0x20] =	vst v2  }
0x2c: {  	v2 =	vld [tilespmem:s13+$0x10];
	[tilespmem:s11+$0xFFFFFFC0] =	vst v4  }
0x2d: {  	v4 =	vld [tilespmem:s13+$0x20]  }
0x2e: {  	v7 =	vld [tilespmem:s13+$0xFFFFFFC0]  }
0x2f: {  	v6 =	vld.idx.msk [tilespmem:v6+s3+$0x0], $0xffff  }
0x30: {  	v8 =	vld.idx.msk [tilespmem:v5+s3+$0x0], $0xffff  }
0x31: {  	v5 =	vld.idx.msk [tilespmem:v3+s3+$0x0], $0xffff  }
.Ltmp1:
0x32: {  	v3 =	vld.idx.msk [tilespmem:v0+s3+$0x0], $0xffff;
	(pc) =	sbr.rel @p0 .LBB2_3-.Ltmp1, $4  }
0x33: {  	v0 =	vld.idx.msk [tilespmem:v1+s3+$0x0], $0xffff  }
0x34: {  	s11 =	sadd.s32 $0x80, s11;
	v1 =	vld.idx.msk [tilespmem:v2+s3+$0x0], $0xffff  }
0x35: {  	v2 =	vld.idx.msk [tilespmem:v4+s3+$0x0], $0xffff;
	[tilespmem:s11+$0x30] =	vst v6  }
0x36: {  	s13 =	sadd.s32 $0x100, s13;
	v4 =	vld.idx.msk [tilespmem:v7+s3+$0x0], $0xffff;
	[tilespmem:s11+$0xFFFFFFD0] =	vst v8  }
0x37: {  	[tilespmem:s11+$0xFFFFFFE0] =	vst v5  }
0x38: {  	[tilespmem:s11+$0xFFFFFFF0] =	vst v3  }
0x39: {  	[tilespmem:s11+$0x0] =	vst v0  }
0x3a: {  	s10 =	sadd.s32 $0x1, s10;
	[tilespmem:s11+$0x10] =	vst v1  }
0x3b: {  	p0 =	sne.s32 s10, s6;
	[tilespmem:s11+$0x20] =	vst v2  }
.Ltmp2:
0x3c: {  	[tilespmem:s11+$0xFFFFFFC0] =	vst v4;
	(pc) =	sbr.rel @p0 .LBB2_2-.Ltmp2, $4  }
0x3d: {  	[hbm4b:s5+s3] =	stream.linear.scatter [tilespmem:s9], [sflag:$0x1], $0x3200, $0x38;
	[tilespmem:$0xBD80] =	vst v63  }
0x3e: {  	_ =	swait.ge [sflag:s7], $0x3200  }
0x3f: {  	[sflag:s7] =	ssyncset.done $0x0  }
0x40: {  	[sflag:s7] =	ssyncadd.s32 $0xFFFFCE00  }
.LBB2_5:
0x41: {  	_ =	sfence.sel $0x180000  }
0x42: {  	[bflag:$0x0] =	sbarrier.arrive $0xFFFF  }
0x43: {  	p0 =	sne.s32 s0, $0x0;
	_ =	strace $0x90000047  }
0x44: {  	s0 =	sadd.s32 @!p0 $0x100000, s2;
	[bflag:$0x2] =	sbarrier.arrive $0xFFFF  }
0x45: {  	[sflag:s0] =	ssyncadd.tile.s32 @!p0 $0x1;
	_ =	shalt  }
.Lfunc_end2:
_tile_overlayer_lowered:
.L_overlay_start_2:
0x46: {  	(tag) =	ssettag $0x2  }
0x47: {  	s0 =	rddreg [dreg:$0x0];
	s2 =	stileid.u32  }
0x48: {  	s1 =	rddreg [dreg:$0x1];
	p0 =	sne.s32 s2, $0x0  }
0x49: {  	s3 =	rddreg [dreg:$0x2];
	[bflag:$0x3] =	sbarrier.arrive $0xFFFF;
	s2 =	simm.s32 @!p0 $0x1C01  }
0x4a: {  	[timem:s3], [sflag:s2] =	dma.local @!p0 [hbm:s0], s1  }
0x4b: {  	s0 =	simm.s32 @!p0 $0x1  }
0x4c: {  	_ =	swait.ge @!p0 [sflag:s0], s1  }
0x4d: {  	s1 =	ssub.s32 @!p0 $0x0, s1;
	[sflag:s0] =	ssyncset.done @!p0 $0x0  }
0x4e: {  	[sflag:s0] =	ssyncadd.s32 @!p0 s1  }
0x4f: {  	[bflag:$0x3] =	sbarrier.arrive $0xFFFF  }
0x50: {  	_ =	shalt  }

</sc_bundles>
